<compile_context>
chip_gen: v7x
topology: tpu7x:2x2x1
jax: 0.10.2.dev20260603
libtpu: 0.0.44.dev20260713+nightly
codegen_flags: <defaults>
</compile_context>

<pallas_src>
import functools

import jax
import jax.numpy as jnp
from jax import lax
from jax.experimental import pallas as pl
from jax.experimental.pallas import tpu as pltpu
from jax.experimental.pallas import tpu_sc as plsc

_F32 = jnp.float32



_Y = [[16 + 16 * j + i for j in range(3)] for i in range(2)]
_Z = [[64 + 16 * (3 * i + j) for j in range(3)] for i in range(2)]

_ASSIGN = (
    [(0, 2), (1, 0), (2, 1)]
    + list(zip(range(16, 22),
             [_Y[0][0], _Y[1][0], _Y[0][0], _Y[1][1], _Y[0][1], _Y[0][1]]))
    + list(zip(range(22, 28),
               [_Y[0][1], _Y[0][0], _Y[0][2], _Y[1][0], _Y[1][2], _Y[1][1]]))
    + list(zip(range(32, 48),
               [_Z[0][0] + k for k in range(4)] * 2
               + [_Z[1][0] + k for k in range(4)] * 2))
    + list(zip(range(48, 60),
               [_Z[i][j] for i in range(2) for _ in range(2)
                for j in range(3)]))
)


@functools.partial(
    pl.kernel,
    out_type=jax.ShapeDtypeStruct((64,), _F32),
    mesh=plsc.ScalarSubcoreMesh(axis_name="c", num_cores=1),
    scratch_types=[
        pltpu.SMEM((160,), _F32),
        pltpu.SMEM((64,), _F32),
    ],
)
def _gather_kernel(win_hbm, out_hbm, winbuf, obuf):
    pltpu.sync_copy(win_hbm, winbuf)
    for dst, src in _ASSIGN:
        obuf[dst] = winbuf[src]
    pltpu.sync_copy(obuf, out_hbm)


def _fmt_body(p_ref, a_ref, bt_ref, c_ref, d_ref, ep_ref):
    a_ref[...] = p_ref[pl.ds(0, 3)]
    for j in range(2):
        bt_ref[j, :] = p_ref[pl.ds(16 + 3 * j, 3)]
    for r in range(2):
        c_ref[r, :] = p_ref[pl.ds(22 + 3 * r, 3)]
    for i in range(2):
        for j in range(2):
            d_ref[i, j, :] = p_ref[pl.ds(32 + 8 * i + 4 * j, 4)]
    for i in range(2):
        for k in range(2):
            ep_ref[i, k, :] = p_ref[pl.ds(48 + 6 * i + 3 * k, 3)]


_fmt = pl.pallas_call(
    _fmt_body,
    out_shape=(
        jax.ShapeDtypeStruct((3,), _F32),
        jax.ShapeDtypeStruct((2, 3), _F32),
        jax.ShapeDtypeStruct((2, 3), _F32),
        jax.ShapeDtypeStruct((2, 2, 4), _F32),
        jax.ShapeDtypeStruct((2, 2, 3), _F32),
    ),
)


def kernel(x, y, z):
    win = jnp.concatenate(
        [lax.slice(x, (0,), (16,)),
         lax.slice(y.T, (0, 0), (3, 16)).reshape(48),
         lax.slice(z, (0, 0, 0), (2, 3, 16)).reshape(96)])
    packed = _gather_kernel(win)
    a, bt, c, d, ep = _fmt(packed)
    return (a, bt.T, c, d, jnp.transpose(ep, (0, 2, 1)))

# --- scband reference (transcript-rebuilt; emitter-appended) ---
"""Pipeline reference for scband-model-36988258353724 (READ-ONLY COPY).

The authoritative reference and input builder live on the scoring server;
editing this copy changes nothing except your own understanding.
"""

import jax, jax.numpy as jnp
import numpy as np


def setup_inputs(seed: int = 0) -> dict:
    key = jax.random.key(seed)
    k1, k2, k3 = jax.random.split(key, 3)
    x = jax.random.normal(k1, (1048576,), dtype=jnp.float32)
    y = jax.random.normal(k2, (100000, 64), dtype=jnp.float32)
    z = jax.random.normal(k3, (64, 2048, 128), dtype=jnp.float32)
    return {"x": x, "y": y, "z": z}


def reference(x, y, z):
    # a = torch.gather(x, 0, [2, 0, 1]) on 1-D tensor -> plain fancy indexing
    idx_1d = jnp.array([2, 0, 1], dtype=jnp.int32)
    a = jnp.take(x, idx_1d, axis=0)

    # b = torch.gather(y, 0, [[0,1],[1,0],[0,0]]): out[i,j] = y[idx[i,j], j]
    # torch allows index.size(d) <= input.size(d) for d != dim, so slice y's
    # trailing dim to match the index width before take_along_axis.
    idx_2d_axis0 = jnp.array([[0, 1], [1, 0], [0, 0]], dtype=jnp.int32)
    b = jnp.take_along_axis(y[:, :2], idx_2d_axis0, axis=0)

    # c = torch.gather(y, 1, [[1,0,2],[0,2,1]]): out[i,j] = y[i, idx[i,j]]
    idx_2d_axis1 = jnp.array([[1, 0, 2], [0, 2, 1]], dtype=jnp.int32)
    c = jnp.take_along_axis(y[:2, :], idx_2d_axis1, axis=1)

    # d = torch.gather(z, 1, zeros(2,2,4)): out[i,j,k] = z[i, 0, k]
    idx_3d = jnp.zeros((2, 2, 4), dtype=jnp.int32)
    d = jnp.take_along_axis(z[:2, :, :4], idx_3d, axis=1)

    # e = torch.gather(z, -1, zeros(2,3,2)): out[i,j,k] = z[i, j, 0]
    idx_3d_last = jnp.zeros((2, 3, 2), dtype=jnp.int32)
    e = jnp.take_along_axis(z[:2, :3, :], idx_3d_last, axis=2)

    return (a, b, c, d, e)

if __name__ == "__main__":
    import jax
    _d = setup_inputs()
    print(jax.jit(kernel)(*tuple(_d.values())))

</pallas_src>

<mosaic_0001>
#map = affine_map<(d0) -> (0)>
module attributes {stable_mosaic.version = 14 : i64} {
  func.func @_gather_kernel(%arg0: i32, %arg1: memref<160xf32, #tpu.memory_space<hbm>>, %arg2: memref<64xf32, #tpu.memory_space<hbm>>, %arg3: memref<160xf32, #tpu.memory_space<smem>>, %arg4: memref<64xf32, #tpu.memory_space<smem>>) attributes {dimension_semantics = [#tpu.dimension_semantics<core_parallel>], iteration_bounds = array<i64: 1>, scalar_prefetch = 0 : i64, scratch_operands = 2 : i64, tpu.core_type = #tpu.core_type<sc_scalar_subcore>, window_params = [{transform_indices = #map}, {transform_indices = #map}]} {
    "tpu.region"() ({
      %run_scoped3A = tpu.sem_alloc : memref<!tpu.dma_semaphore, #tpu.memory_space<semaphore_mem>>
      tpu.enqueue_dma source(%arg1 : memref<160xf32, #tpu.memory_space<hbm>>) target(%arg3 : memref<160xf32, #tpu.memory_space<smem>>) target_semaphore(%run_scoped3A : memref<!tpu.dma_semaphore, #tpu.memory_space<semaphore_mem>>)
      tpu.wait_dma2 semaphore(%run_scoped3A : memref<!tpu.dma_semaphore, #tpu.memory_space<semaphore_mem>>) src(%arg1 : memref<160xf32, #tpu.memory_space<hbm>>) dst(%arg3 : memref<160xf32, #tpu.memory_space<smem>>)
      tpu.yield
    }) : () -> ()
    %get3A = arith.constant 2 : i32
    %get3A_0 = arith.index_cast %get3A : i32 to index
    %get3A_1 = memref.load %arg3[%get3A_0] : memref<160xf32, #tpu.memory_space<smem>>
    %swap3A = arith.constant 0 : i32
    %swap3A_2 = arith.index_cast %swap3A : i32 to index
    %swap3A_3 = memref.load %arg4[%swap3A_2] : memref<64xf32, #tpu.memory_space<smem>>
    memref.store %get3A_1, %arg4[%swap3A_2] : memref<64xf32, #tpu.memory_space<smem>>
    %get3A_4 = arith.constant 0 : i32
    %get3A_5 = arith.index_cast %get3A_4 : i32 to index
    %get3A_6 = memref.load %arg3[%get3A_5] : memref<160xf32, #tpu.memory_space<smem>>
    %swap3A_7 = arith.constant 1 : i32
    %swap3A_8 = arith.index_cast %swap3A_7 : i32 to index
    %swap3A_9 = memref.load %arg4[%swap3A_8] : memref<64xf32, #tpu.memory_space<smem>>
    memref.store %get3A_6, %arg4[%swap3A_8] : memref<64xf32, #tpu.memory_space<smem>>
    %get3A_10 = arith.constant 1 : i32
    %get3A_11 = arith.index_cast %get3A_10 : i32 to index
    %get3A_12 = memref.load %arg3[%get3A_11] : memref<160xf32, #tpu.memory_space<smem>>
    %swap3A_13 = arith.constant 2 : i32
    %swap3A_14 = arith.index_cast %swap3A_13 : i32 to index
    %swap3A_15 = memref.load %arg4[%swap3A_14] : memref<64xf32, #tpu.memory_space<smem>>
    memref.store %get3A_12, %arg4[%swap3A_14] : memref<64xf32, #tpu.memory_space<smem>>
    %get3A_16 = arith.constant 16 : i32
    %get3A_17 = arith.index_cast %get3A_16 : i32 to index
    %get3A_18 = memref.load %arg3[%get3A_17] : memref<160xf32, #tpu.memory_space<smem>>
    %swap3A_19 = arith.constant 16 : i32
    %swap3A_20 = arith.index_cast %swap3A_19 : i32 to index
    %swap3A_21 = memref.load %arg4[%swap3A_20] : memref<64xf32, #tpu.memory_space<smem>>
    memref.store %get3A_18, %arg4[%swap3A_20] : memref<64xf32, #tpu.memory_space<smem>>
    %get3A_22 = arith.constant 17 : i32
    %get3A_23 = arith.index_cast %get3A_22 : i32 to index
    %get3A_24 = memref.load %arg3[%get3A_23] : memref<160xf32, #tpu.memory_space<smem>>
    %swap3A_25 = arith.constant 17 : i32
    %swap3A_26 = arith.index_cast %swap3A_25 : i32 to index
    %swap3A_27 = memref.load %arg4[%swap3A_26] : memref<64xf32, #tpu.memory_space<smem>>
    memref.store %get3A_24, %arg4[%swap3A_26] : memref<64xf32, #tpu.memory_space<smem>>
    %get3A_28 = arith.constant 16 : i32
    %get3A_29 = arith.index_cast %get3A_28 : i32 to index
    %get3A_30 = memref.load %arg3[%get3A_29] : memref<160xf32, #tpu.memory_space<smem>>
    %swap3A_31 = arith.constant 18 : i32
    %swap3A_32 = arith.index_cast %swap3A_31 : i32 to index
    %swap3A_33 = memref.load %arg4[%swap3A_32] : memref<64xf32, #tpu.memory_space<smem>>
    memref.store %get3A_30, %arg4[%swap3A_32] : memref<64xf32, #tpu.memory_space<smem>>
    %get3A_34 = arith.constant 33 : i32
    %get3A_35 = arith.index_cast %get3A_34 : i32 to index
    %get3A_36 = memref.load %arg3[%get3A_35] : memref<160xf32, #tpu.memory_space<smem>>
    %swap3A_37 = arith.constant 19 : i32
    %swap3A_38 = arith.index_cast %swap3A_37 : i32 to index
    %swap3A_39 = memref.load %arg4[%swap3A_38] : memref<64xf32, #tpu.memory_space<smem>>
    memref.store %get3A_36, %arg4[%swap3A_38] : memref<64xf32, #tpu.memory_space<smem>>
    %get3A_40 = arith.constant 32 : i32
    %get3A_41 = arith.index_cast %get3A_40 : i32 to index
    %get3A_42 = memref.load %arg3[%get3A_41] : memref<160xf32, #tpu.memory_space<smem>>
    %swap3A_43 = arith.constant 20 : i32
    %swap3A_44 = arith.index_cast %swap3A_43 : i32 to index
    %swap3A_45 = memref.load %arg4[%swap3A_44] : memref<64xf32, #tpu.memory_space<smem>>
    memref.store %get3A_42, %arg4[%swap3A_44] : memref<64xf32, #tpu.memory_space<smem>>
    %get3A_46 = arith.constant 32 : i32
    %get3A_47 = arith.index_cast %get3A_46 : i32 to index
    %get3A_48 = memref.load %arg3[%get3A_47] : memref<160xf32, #tpu.memory_space<smem>>
    %swap3A_49 = arith.constant 21 : i32
    %swap3A_50 = arith.index_cast %swap3A_49 : i32 to index
    %swap3A_51 = memref.load %arg4[%swap3A_50] : memref<64xf32, #tpu.memory_space<smem>>
    memref.store %get3A_48, %arg4[%swap3A_50] : memref<64xf32, #tpu.memory_space<smem>>
    %get3A_52 = arith.constant 32 : i32
    %get3A_53 = arith.index_cast %get3A_52 : i32 to index
    %get3A_54 = memref.load %arg3[%get3A_53] : memref<160xf32, #tpu.memory_space<smem>>
    %swap3A_55 = arith.constant 22 : i32
    %swap3A_56 = arith.index_cast %swap3A_55 : i32 to index
    %swap3A_57 = memref.load %arg4[%swap3A_56] : memref<64xf32, #tpu.memory_space<smem>>
    memref.store %get3A_54, %arg4[%swap3A_56] : memref<64xf32, #tpu.memory_space<smem>>
    %get3A_58 = arith.constant 16 : i32
    %get3A_59 = arith.index_cast %get3A_58 : i32 to index
    %get3A_60 = memref.load %arg3[%get3A_59] : memref<160xf32, #tpu.memory_space<smem>>
    %swap3A_61 = arith.constant 23 : i32
    %swap3A_62 = arith.index_cast %swap3A_61 : i32 to index
    %swap3A_63 = memref.load %arg4[%swap3A_62] : memref<64xf32, #tpu.memory_space<smem>>
    memref.store %get3A_60, %arg4[%swap3A_62] : memref<64xf32, #tpu.memory_space<smem>>
    %get3A_64 = arith.constant 48 : i32
    %get3A_65 = arith.index_cast %get3A_64 : i32 to index
    %get3A_66 = memref.load %arg3[%get3A_65] : memref<160xf32, #tpu.memory_space<smem>>
    %swap3A_67 = arith.constant 24 : i32
    %swap3A_68 = arith.index_cast %swap3A_67 : i32 to index
    %swap3A_69 = memref.load %arg4[%swap3A_68] : memref<64xf32, #tpu.memory_space<smem>>
    memref.store %get3A_66, %arg4[%swap3A_68] : memref<64xf32, #tpu.memory_space<smem>>
    %get3A_70 = arith.constant 17 : i32
    %get3A_71 = arith.index_cast %get3A_70 : i32 to index
    %get3A_72 = memref.load %arg3[%get3A_71] : memref<160xf32, #tpu.memory_space<smem>>
    %swap3A_73 = arith.constant 25 : i32
    %swap3A_74 = arith.index_cast %swap3A_73 : i32 to index
    %swap3A_75 = memref.load %arg4[%swap3A_74] : memref<64xf32, #tpu.memory_space<smem>>
    memref.store %get3A_72, %arg4[%swap3A_74] : memref<64xf32, #tpu.memory_space<smem>>
    %get3A_76 = arith.constant 49 : i32
    %get3A_77 = arith.index_cast %get3A_76 : i32 to index
    %get3A_78 = memref.load %arg3[%get3A_77] : memref<160xf32, #tpu.memory_space<smem>>
    %swap3A_79 = arith.constant 26 : i32
    %swap3A_80 = arith.index_cast %swap3A_79 : i32 to index
    %swap3A_81 = memref.load %arg4[%swap3A_80] : memref<64xf32, #tpu.memory_space<smem>>
    memref.store %get3A_78, %arg4[%swap3A_80] : memref<64xf32, #tpu.memory_space<smem>>
    %get3A_82 = arith.constant 33 : i32
    %get3A_83 = arith.index_cast %get3A_82 : i32 to index
    %get3A_84 = memref.load %arg3[%get3A_83] : memref<160xf32, #tpu.memory_space<smem>>
    %swap3A_85 = arith.constant 27 : i32
    %swap3A_86 = arith.index_cast %swap3A_85 : i32 to index
    %swap3A_87 = memref.load %arg4[%swap3A_86] : memref<64xf32, #tpu.memory_space<smem>>
    memref.store %get3A_84, %arg4[%swap3A_86] : memref<64xf32, #tpu.memory_space<smem>>
    %get3A_88 = arith.constant 64 : i32
    %get3A_89 = arith.index_cast %get3A_88 : i32 to index
    %get3A_90 = memref.load %arg3[%get3A_89] : memref<160xf32, #tpu.memory_space<smem>>
    %swap3A_91 = arith.constant 32 : i32
    %swap3A_92 = arith.index_cast %swap3A_91 : i32 to index
    %swap3A_93 = memref.load %arg4[%swap3A_92] : memref<64xf32, #tpu.memory_space<smem>>
    memref.store %get3A_90, %arg4[%swap3A_92] : memref<64xf32, #tpu.memory_space<smem>>
    %get3A_94 = arith.constant 65 : i32
    %get3A_95 = arith.index_cast %get3A_94 : i32 to index
    %get3A_96 = memref.load %arg3[%get3A_95] : memref<160xf32, #tpu.memory_space<smem>>
    %swap3A_97 = arith.constant 33 : i32
    %swap3A_98 = arith.index_cast %swap3A_97 : i32 to index
    %swap3A_99 = memref.load %arg4[%swap3A_98] : memref<64xf32, #tpu.memory_space<smem>>
    memref.store %get3A_96, %arg4[%swap3A_98] : memref<64xf32, #tpu.memory_space<smem>>
    %get3A_100 = arith.constant 66 : i32
    %get3A_101 = arith.index_cast %get3A_100 : i32 to index
    %get3A_102 = memref.load %arg3[%get3A_101] : memref<160xf32, #tpu.memory_space<smem>>
    %swap3A_103 = arith.constant 34 : i32
    %swap3A_104 = arith.index_cast %swap3A_103 : i32 to index
    %swap3A_105 = memref.load %arg4[%swap3A_104] : memref<64xf32, #tpu.memory_space<smem>>
    memref.store %get3A_102, %arg4[%swap3A_104] : memref<64xf32, #tpu.memory_space<smem>>
    %get3A_106 = arith.constant 67 : i32
    %get3A_107 = arith.index_cast %get3A_106 : i32 to index
    %get3A_108 = memref.load %arg3[%get3A_107] : memref<160xf32, #tpu.memory_space<smem>>
    %swap3A_109 = arith.constant 35 : i32
    %swap3A_110 = arith.index_cast %swap3A_109 : i32 to index
    %swap3A_111 = memref.load %arg4[%swap3A_110] : memref<64xf32, #tpu.memory_space<smem>>
    memref.store %get3A_108, %arg4[%swap3A_110] : memref<64xf32, #tpu.memory_space<smem>>
    %get3A_112 = arith.constant 64 : i32
    %get3A_113 = arith.index_cast %get3A_112 : i32 to index
    %get3A_114 = memref.load %arg3[%get3A_113] : memref<160xf32, #tpu.memory_space<smem>>
    %swap3A_115 = arith.constant 36 : i32
    %swap3A_116 = arith.index_cast %swap3A_115 : i32 to index
    %swap3A_117 = memref.load %arg4[%swap3A_116] : memref<64xf32, #tpu.memory_space<smem>>
    memref.store %get3A_114, %arg4[%swap3A_116] : memref<64xf32, #tpu.memory_space<smem>>
    %get3A_118 = arith.constant 65 : i32
    %get3A_119 = arith.index_cast %get3A_118 : i32 to index
    %get3A_120 = memref.load %arg3[%get3A_119] : memref<160xf32, #tpu.memory_space<smem>>
    %swap3A_121 = arith.constant 37 : i32
    %swap3A_122 = arith.index_cast %swap3A_121 : i32 to index
    %swap3A_123 = memref.load %arg4[%swap3A_122] : memref<64xf32, #tpu.memory_space<smem>>
    memref.store %get3A_120, %arg4[%swap3A_122] : memref<64xf32, #tpu.memory_space<smem>>
    %get3A_124 = arith.constant 66 : i32
    %get3A_125 = arith.index_cast %get3A_124 : i32 to index
    %get3A_126 = memref.load %arg3[%get3A_125] : memref<160xf32, #tpu.memory_space<smem>>
    %swap3A_127 = arith.constant 38 : i32
    %swap3A_128 = arith.index_cast %swap3A_127 : i32 to index
    %swap3A_129 = memref.load %arg4[%swap3A_128] : memref<64xf32, #tpu.memory_space<smem>>
    memref.store %get3A_126, %arg4[%swap3A_128] : memref<64xf32, #tpu.memory_space<smem>>
    %get3A_130 = arith.constant 67 : i32
    %get3A_131 = arith.index_cast %get3A_130 : i32 to index
    %get3A_132 = memref.load %arg3[%get3A_131] : memref<160xf32, #tpu.memory_space<smem>>
    %swap3A_133 = arith.constant 39 : i32
    %swap3A_134 = arith.index_cast %swap3A_133 : i32 to index
    %swap3A_135 = memref.load %arg4[%swap3A_134] : memref<64xf32, #tpu.memory_space<smem>>
    memref.store %get3A_132, %arg4[%swap3A_134] : memref<64xf32, #tpu.memory_space<smem>>
    %get3A_136 = arith.constant 112 : i32
    %get3A_137 = arith.index_cast %get3A_136 : i32 to index
    %get3A_138 = memref.load %arg3[%get3A_137] : memref<160xf32, #tpu.memory_space<smem>>
    %swap3A_139 = arith.constant 40 : i32
    %swap3A_140 = arith.index_cast %swap3A_139 : i32 to index
    %swap3A_141 = memref.load %arg4[%swap3A_140] : memref<64xf32, #tpu.memory_space<smem>>
    memref.store %get3A_138, %arg4[%swap3A_140] : memref<64xf32, #tpu.memory_space<smem>>
    %get3A_142 = arith.constant 113 : i32
    %get3A_143 = arith.index_cast %get3A_142 : i32 to index
    %get3A_144 = memref.load %arg3[%get3A_143] : memref<160xf32, #tpu.memory_space<smem>>
    %swap3A_145 = arith.constant 41 : i32
    %swap3A_146 = arith.index_cast %swap3A_145 : i32 to index
    %swap3A_147 = memref.load %arg4[%swap3A_146] : memref<64xf32, #tpu.memory_space<smem>>
    memref.store %get3A_144, %arg4[%swap3A_146] : memref<64xf32, #tpu.memory_space<smem>>
    %get3A_148 = arith.constant 114 : i32
    %get3A_149 = arith.index_cast %get3A_148 : i32 to index
    %get3A_150 = memref.load %arg3[%get3A_149] : memref<160xf32, #tpu.memory_space<smem>>
    %swap3A_151 = arith.constant 42 : i32
    %swap3A_152 = arith.index_cast %swap3A_151 : i32 to index
    %swap3A_153 = memref.load %arg4[%swap3A_152] : memref<64xf32, #tpu.memory_space<smem>>
    memref.store %get3A_150, %arg4[%swap3A_152] : memref<64xf32, #tpu.memory_space<smem>>
    %get3A_154 = arith.constant 115 : i32
    %get3A_155 = arith.index_cast %get3A_154 : i32 to index
    %get3A_156 = memref.load %arg3[%get3A_155] : memref<160xf32, #tpu.memory_space<smem>>
    %swap3A_157 = arith.constant 43 : i32
    %swap3A_158 = arith.index_cast %swap3A_157 : i32 to index
    %swap3A_159 = memref.load %arg4[%swap3A_158] : memref<64xf32, #tpu.memory_space<smem>>
    memref.store %get3A_156, %arg4[%swap3A_158] : memref<64xf32, #tpu.memory_space<smem>>
    %get3A_160 = arith.constant 112 : i32
    %get3A_161 = arith.index_cast %get3A_160 : i32 to index
    %get3A_162 = memref.load %arg3[%get3A_161] : memref<160xf32, #tpu.memory_space<smem>>
    %swap3A_163 = arith.constant 44 : i32
    %swap3A_164 = arith.index_cast %swap3A_163 : i32 to index
    %swap3A_165 = memref.load %arg4[%swap3A_164] : memref<64xf32, #tpu.memory_space<smem>>
    memref.store %get3A_162, %arg4[%swap3A_164] : memref<64xf32, #tpu.memory_space<smem>>
    %get3A_166 = arith.constant 113 : i32
    %get3A_167 = arith.index_cast %get3A_166 : i32 to index
    %get3A_168 = memref.load %arg3[%get3A_167] : memref<160xf32, #tpu.memory_space<smem>>
    %swap3A_169 = arith.constant 45 : i32
    %swap3A_170 = arith.index_cast %swap3A_169 : i32 to index
    %swap3A_171 = memref.load %arg4[%swap3A_170] : memref<64xf32, #tpu.memory_space<smem>>
    memref.store %get3A_168, %arg4[%swap3A_170] : memref<64xf32, #tpu.memory_space<smem>>
    %get3A_172 = arith.constant 114 : i32
    %get3A_173 = arith.index_cast %get3A_172 : i32 to index
    %get3A_174 = memref.load %arg3[%get3A_173] : memref<160xf32, #tpu.memory_space<smem>>
    %swap3A_175 = arith.constant 46 : i32
    %swap3A_176 = arith.index_cast %swap3A_175 : i32 to index
    %swap3A_177 = memref.load %arg4[%swap3A_176] : memref<64xf32, #tpu.memory_space<smem>>
    memref.store %get3A_174, %arg4[%swap3A_176] : memref<64xf32, #tpu.memory_space<smem>>
    %get3A_178 = arith.constant 115 : i32
    %get3A_179 = arith.index_cast %get3A_178 : i32 to index
    %get3A_180 = memref.load %arg3[%get3A_179] : memref<160xf32, #tpu.memory_space<smem>>
    %swap3A_181 = arith.constant 47 : i32
    %swap3A_182 = arith.index_cast %swap3A_181 : i32 to index
    %swap3A_183 = memref.load %arg4[%swap3A_182] : memref<64xf32, #tpu.memory_space<smem>>
    memref.store %get3A_180, %arg4[%swap3A_182] : memref<64xf32, #tpu.memory_space<smem>>
    %get3A_184 = arith.constant 64 : i32
    %get3A_185 = arith.index_cast %get3A_184 : i32 to index
    %get3A_186 = memref.load %arg3[%get3A_185] : memref<160xf32, #tpu.memory_space<smem>>
    %swap3A_187 = arith.constant 48 : i32
    %swap3A_188 = arith.index_cast %swap3A_187 : i32 to index
    %swap3A_189 = memref.load %arg4[%swap3A_188] : memref<64xf32, #tpu.memory_space<smem>>
    memref.store %get3A_186, %arg4[%swap3A_188] : memref<64xf32, #tpu.memory_space<smem>>
    %get3A_190 = arith.constant 80 : i32
    %get3A_191 = arith.index_cast %get3A_190 : i32 to index
    %get3A_192 = memref.load %arg3[%get3A_191] : memref<160xf32, #tpu.memory_space<smem>>
    %swap3A_193 = arith.constant 49 : i32
    %swap3A_194 = arith.index_cast %swap3A_193 : i32 to index
    %swap3A_195 = memref.load %arg4[%swap3A_194] : memref<64xf32, #tpu.memory_space<smem>>
    memref.store %get3A_192, %arg4[%swap3A_194] : memref<64xf32, #tpu.memory_space<smem>>
    %get3A_196 = arith.constant 96 : i32
    %get3A_197 = arith.index_cast %get3A_196 : i32 to index
    %get3A_198 = memref.load %arg3[%get3A_197] : memref<160xf32, #tpu.memory_space<smem>>
    %swap3A_199 = arith.constant 50 : i32
    %swap3A_200 = arith.index_cast %swap3A_199 : i32 to index
    %swap3A_201 = memref.load %arg4[%swap3A_200] : memref<64xf32, #tpu.memory_space<smem>>
    memref.store %get3A_198, %arg4[%swap3A_200] : memref<64xf32, #tpu.memory_space<smem>>
    %get3A_202 = arith.constant 64 : i32
    %get3A_203 = arith.index_cast %get3A_202 : i32 to index
    %get3A_204 = memref.load %arg3[%get3A_203] : memref<160xf32, #tpu.memory_space<smem>>
    %swap3A_205 = arith.constant 51 : i32
    %swap3A_206 = arith.index_cast %swap3A_205 : i32 to index
    %swap3A_207 = memref.load %arg4[%swap3A_206] : memref<64xf32, #tpu.memory_space<smem>>
    memref.store %get3A_204, %arg4[%swap3A_206] : memref<64xf32, #tpu.memory_space<smem>>
    %get3A_208 = arith.constant 80 : i32
    %get3A_209 = arith.index_cast %get3A_208 : i32 to index
    %get3A_210 = memref.load %arg3[%get3A_209] : memref<160xf32, #tpu.memory_space<smem>>
    %swap3A_211 = arith.constant 52 : i32
    %swap3A_212 = arith.index_cast %swap3A_211 : i32 to index
    %swap3A_213 = memref.load %arg4[%swap3A_212] : memref<64xf32, #tpu.memory_space<smem>>
    memref.store %get3A_210, %arg4[%swap3A_212] : memref<64xf32, #tpu.memory_space<smem>>
    %get3A_214 = arith.constant 96 : i32
    %get3A_215 = arith.index_cast %get3A_214 : i32 to index
    %get3A_216 = memref.load %arg3[%get3A_215] : memref<160xf32, #tpu.memory_space<smem>>
    %swap3A_217 = arith.constant 53 : i32
    %swap3A_218 = arith.index_cast %swap3A_217 : i32 to index
    %swap3A_219 = memref.load %arg4[%swap3A_218] : memref<64xf32, #tpu.memory_space<smem>>
    memref.store %get3A_216, %arg4[%swap3A_218] : memref<64xf32, #tpu.memory_space<smem>>
    %get3A_220 = arith.constant 112 : i32
    %get3A_221 = arith.index_cast %get3A_220 : i32 to index
    %get3A_222 = memref.load %arg3[%get3A_221] : memref<160xf32, #tpu.memory_space<smem>>
    %swap3A_223 = arith.constant 54 : i32
    %swap3A_224 = arith.index_cast %swap3A_223 : i32 to index
    %swap3A_225 = memref.load %arg4[%swap3A_224] : memref<64xf32, #tpu.memory_space<smem>>
    memref.store %get3A_222, %arg4[%swap3A_224] : memref<64xf32, #tpu.memory_space<smem>>
    %get3A_226 = arith.constant 128 : i32
    %get3A_227 = arith.index_cast %get3A_226 : i32 to index
    %get3A_228 = memref.load %arg3[%get3A_227] : memref<160xf32, #tpu.memory_space<smem>>
    %swap3A_229 = arith.constant 55 : i32
    %swap3A_230 = arith.index_cast %swap3A_229 : i32 to index
    %swap3A_231 = memref.load %arg4[%swap3A_230] : memref<64xf32, #tpu.memory_space<smem>>
    memref.store %get3A_228, %arg4[%swap3A_230] : memref<64xf32, #tpu.memory_space<smem>>
    %get3A_232 = arith.constant 144 : i32
    %get3A_233 = arith.index_cast %get3A_232 : i32 to index
    %get3A_234 = memref.load %arg3[%get3A_233] : memref<160xf32, #tpu.memory_space<smem>>
    %swap3A_235 = arith.constant 56 : i32
    %swap3A_236 = arith.index_cast %swap3A_235 : i32 to index
    %swap3A_237 = memref.load %arg4[%swap3A_236] : memref<64xf32, #tpu.memory_space<smem>>
    memref.store %get3A_234, %arg4[%swap3A_236] : memref<64xf32, #tpu.memory_space<smem>>
    %get3A_238 = arith.constant 112 : i32
    %get3A_239 = arith.index_cast %get3A_238 : i32 to index
    %get3A_240 = memref.load %arg3[%get3A_239] : memref<160xf32, #tpu.memory_space<smem>>
    %swap3A_241 = arith.constant 57 : i32
    %swap3A_242 = arith.index_cast %swap3A_241 : i32 to index
    %swap3A_243 = memref.load %arg4[%swap3A_242] : memref<64xf32, #tpu.memory_space<smem>>
    memref.store %get3A_240, %arg4[%swap3A_242] : memref<64xf32, #tpu.memory_space<smem>>
    %get3A_244 = arith.constant 128 : i32
    %get3A_245 = arith.index_cast %get3A_244 : i32 to index
    %get3A_246 = memref.load %arg3[%get3A_245] : memref<160xf32, #tpu.memory_space<smem>>
    %swap3A_247 = arith.constant 58 : i32
    %swap3A_248 = arith.index_cast %swap3A_247 : i32 to index
    %swap3A_249 = memref.load %arg4[%swap3A_248] : memref<64xf32, #tpu.memory_space<smem>>
    memref.store %get3A_246, %arg4[%swap3A_248] : memref<64xf32, #tpu.memory_space<smem>>
    %get3A_250 = arith.constant 144 : i32
    %get3A_251 = arith.index_cast %get3A_250 : i32 to index
    %get3A_252 = memref.load %arg3[%get3A_251] : memref<160xf32, #tpu.memory_space<smem>>
    %swap3A_253 = arith.constant 59 : i32
    %swap3A_254 = arith.index_cast %swap3A_253 : i32 to index
    %swap3A_255 = memref.load %arg4[%swap3A_254] : memref<64xf32, #tpu.memory_space<smem>>
    memref.store %get3A_252, %arg4[%swap3A_254] : memref<64xf32, #tpu.memory_space<smem>>
    "tpu.region"() ({
      %run_scoped3A = tpu.sem_alloc : memref<!tpu.dma_semaphore, #tpu.memory_space<semaphore_mem>>
      tpu.enqueue_dma source(%arg4 : memref<64xf32, #tpu.memory_space<smem>>) target(%arg2 : memref<64xf32, #tpu.memory_space<hbm>>) target_semaphore(%run_scoped3A : memref<!tpu.dma_semaphore, #tpu.memory_space<semaphore_mem>>)
      tpu.wait_dma2 semaphore(%run_scoped3A : memref<!tpu.dma_semaphore, #tpu.memory_space<semaphore_mem>>) src(%arg4 : memref<64xf32, #tpu.memory_space<smem>>) dst(%arg2 : memref<64xf32, #tpu.memory_space<hbm>>)
      tpu.yield
    }) : () -> ()
    return
  }
}

module attributes {stable_mosaic.version = 14 : i64} {
  func.func @_fmt_body(%arg0: memref<64xf32, #tpu.memory_space<vmem>>, %arg1: memref<3xf32, #tpu.memory_space<vmem>>, %arg2: memref<2x3xf32, #tpu.memory_space<vmem>>, %arg3: memref<2x3xf32, #tpu.memory_space<vmem>>, %arg4: memref<2x2x4xf32, #tpu.memory_space<vmem>>, %arg5: memref<2x2x3xf32, #tpu.memory_space<vmem>>) attributes {dimension_semantics = [], scalar_prefetch = 0 : i64, scratch_operands = 0 : i64, tpu.core_type = #tpu.core_type<tc>} {
    %get3A = arith.constant 0 : index
    %get3A_0 = vector.load %arg0[%get3A] : memref<64xf32, #tpu.memory_space<vmem>>, vector<3xf32>
    %swap3A = arith.constant 0 : index
    %swap3A_1 = vector.load %arg1[%swap3A] : memref<3xf32, #tpu.memory_space<vmem>>, vector<3xf32>
    tpu.vector_store %arg1[%swap3A], %get3A_0 {strides = array<i32>} : memref<3xf32, #tpu.memory_space<vmem>>, vector<3xf32>,
    %get3A_2 = arith.constant 16 : index
    %get3A_3 = vector.load %arg0[%get3A_2] : memref<64xf32, #tpu.memory_space<vmem>>, vector<3xf32>
    %swap3A_4 = arith.constant 0 : index
    %swap3A_5 = arith.constant 0 : index
    %swap3A_6 = vector.load %arg2[%swap3A_4, %swap3A_5] : memref<2x3xf32, #tpu.memory_space<vmem>>, vector<1x3xf32>
    %swap3A_7 = vector.shape_cast %swap3A_6 : vector<1x3xf32> to vector<3xf32>
    %swap3A_8 = vector.shape_cast %get3A_3 : vector<3xf32> to vector<1x3xf32>
    tpu.vector_store %arg2[%swap3A_4, %swap3A_5], %swap3A_8 {strides = array<i32>} : memref<2x3xf32, #tpu.memory_space<vmem>>, vector<1x3xf32>,
    %get3A_9 = arith.constant 19 : index
    %get3A_10 = vector.load %arg0[%get3A_9] : memref<64xf32, #tpu.memory_space<vmem>>, vector<3xf32>
    %swap3A_11 = arith.constant 1 : index
    %swap3A_12 = arith.constant 0 : index
    %swap3A_13 = vector.load %arg2[%swap3A_11, %swap3A_12] : memref<2x3xf32, #tpu.memory_space<vmem>>, vector<1x3xf32>
    %swap3A_14 = vector.shape_cast %swap3A_13 : vector<1x3xf32> to vector<3xf32>
    %swap3A_15 = vector.shape_cast %get3A_10 : vector<3xf32> to vector<1x3xf32>
    tpu.vector_store %arg2[%swap3A_11, %swap3A_12], %swap3A_15 {strides = array<i32>} : memref<2x3xf32, #tpu.memory_space<vmem>>, vector<1x3xf32>,
    %get3A_16 = arith.constant 22 : index
    %get3A_17 = vector.load %arg0[%get3A_16] : memref<64xf32, #tpu.memory_space<vmem>>, vector<3xf32>
    %swap3A_18 = arith.constant 0 : index
    %swap3A_19 = arith.constant 0 : index
    %swap3A_20 = vector.load %arg3[%swap3A_18, %swap3A_19] : memref<2x3xf32, #tpu.memory_space<vmem>>, vector<1x3xf32>
    %swap3A_21 = vector.shape_cast %swap3A_20 : vector<1x3xf32> to vector<3xf32>
    %swap3A_22 = vector.shape_cast %get3A_17 : vector<3xf32> to vector<1x3xf32>
    tpu.vector_store %arg3[%swap3A_18, %swap3A_19], %swap3A_22 {strides = array<i32>} : memref<2x3xf32, #tpu.memory_space<vmem>>, vector<1x3xf32>,
    %get3A_23 = arith.constant 25 : index
    %get3A_24 = vector.load %arg0[%get3A_23] : memref<64xf32, #tpu.memory_space<vmem>>, vector<3xf32>
    %swap3A_25 = arith.constant 1 : index
    %swap3A_26 = arith.constant 0 : index
    %swap3A_27 = vector.load %arg3[%swap3A_25, %swap3A_26] : memref<2x3xf32, #tpu.memory_space<vmem>>, vector<1x3xf32>
    %swap3A_28 = vector.shape_cast %swap3A_27 : vector<1x3xf32> to vector<3xf32>
    %swap3A_29 = vector.shape_cast %get3A_24 : vector<3xf32> to vector<1x3xf32>
    tpu.vector_store %arg3[%swap3A_25, %swap3A_26], %swap3A_29 {strides = array<i32>} : memref<2x3xf32, #tpu.memory_space<vmem>>, vector<1x3xf32>,
    %get3A_30 = arith.constant 32 : index
    %get3A_31 = vector.load %arg0[%get3A_30] : memref<64xf32, #tpu.memory_space<vmem>>, vector<4xf32>
    %swap3A_32 = arith.constant 0 : index
    %swap3A_33 = arith.constant 0 : index
    %swap3A_34 = arith.constant 0 : index
    %swap3A_35 = vector.load %arg4[%swap3A_32, %swap3A_33, %swap3A_34] : memref<2x2x4xf32, #tpu.memory_space<vmem>>, vector<1x1x4xf32>
    %swap3A_36 = vector.shape_cast %swap3A_35 : vector<1x1x4xf32> to vector<4xf32>
    %swap3A_37 = vector.shape_cast %get3A_31 : vector<4xf32> to vector<1x1x4xf32>
    tpu.vector_store %arg4[%swap3A_32, %swap3A_33, %swap3A_34], %swap3A_37 {strides = array<i32>} : memref<2x2x4xf32, #tpu.memory_space<vmem>>, vector<1x1x4xf32>,
    %get3A_38 = arith.constant 36 : index
    %get3A_39 = vector.load %arg0[%get3A_38] : memref<64xf32, #tpu.memory_space<vmem>>, vector<4xf32>
    %swap3A_40 = arith.constant 0 : index
    %swap3A_41 = arith.constant 1 : index
    %swap3A_42 = arith.constant 0 : index
    %swap3A_43 = vector.load %arg4[%swap3A_40, %swap3A_41, %swap3A_42] : memref<2x2x4xf32, #tpu.memory_space<vmem>>, vector<1x1x4xf32>
    %swap3A_44 = vector.shape_cast %swap3A_43 : vector<1x1x4xf32> to vector<4xf32>
    %swap3A_45 = vector.shape_cast %get3A_39 : vector<4xf32> to vector<1x1x4xf32>
    tpu.vector_store %arg4[%swap3A_40, %swap3A_41, %swap3A_42], %swap3A_45 {strides = array<i32>} : memref<2x2x4xf32, #tpu.memory_space<vmem>>, vector<1x1x4xf32>,
    %get3A_46 = arith.constant 40 : index
    %get3A_47 = vector.load %arg0[%get3A_46] : memref<64xf32, #tpu.memory_space<vmem>>, vector<4xf32>
    %swap3A_48 = arith.constant 1 : index
    %swap3A_49 = arith.constant 0 : index
    %swap3A_50 = arith.constant 0 : index
    %swap3A_51 = vector.load %arg4[%swap3A_48, %swap3A_49, %swap3A_50] : memref<2x2x4xf32, #tpu.memory_space<vmem>>, vector<1x1x4xf32>
    %swap3A_52 = vector.shape_cast %swap3A_51 : vector<1x1x4xf32> to vector<4xf32>
    %swap3A_53 = vector.shape_cast %get3A_47 : vector<4xf32> to vector<1x1x4xf32>
    tpu.vector_store %arg4[%swap3A_48, %swap3A_49, %swap3A_50], %swap3A_53 {strides = array<i32>} : memref<2x2x4xf32, #tpu.memory_space<vmem>>, vector<1x1x4xf32>,
    %get3A_54 = arith.constant 44 : index
    %get3A_55 = vector.load %arg0[%get3A_54] : memref<64xf32, #tpu.memory_space<vmem>>, vector<4xf32>
    %swap3A_56 = arith.constant 1 : index
    %swap3A_57 = arith.constant 1 : index
    %swap3A_58 = arith.constant 0 : index
    %swap3A_59 = vector.load %arg4[%swap3A_56, %swap3A_57, %swap3A_58] : memref<2x2x4xf32, #tpu.memory_space<vmem>>, vector<1x1x4xf32>
    %swap3A_60 = vector.shape_cast %swap3A_59 : vector<1x1x4xf32> to vector<4xf32>
    %swap3A_61 = vector.shape_cast %get3A_55 : vector<4xf32> to vector<1x1x4xf32>
    tpu.vector_store %arg4[%swap3A_56, %swap3A_57, %swap3A_58], %swap3A_61 {strides = array<i32>} : memref<2x2x4xf32, #tpu.memory_space<vmem>>, vector<1x1x4xf32>,
    %get3A_62 = arith.constant 48 : index
    %get3A_63 = vector.load %arg0[%get3A_62] : memref<64xf32, #tpu.memory_space<vmem>>, vector<3xf32>
    %swap3A_64 = arith.constant 0 : index
    %swap3A_65 = arith.constant 0 : index
    %swap3A_66 = arith.constant 0 : index
    %swap3A_67 = vector.load %arg5[%swap3A_64, %swap3A_65, %swap3A_66] : memref<2x2x3xf32, #tpu.memory_space<vmem>>, vector<1x1x3xf32>
    %swap3A_68 = vector.shape_cast %swap3A_67 : vector<1x1x3xf32> to vector<3xf32>
    %swap3A_69 = vector.shape_cast %get3A_63 : vector<3xf32> to vector<1x1x3xf32>
    tpu.vector_store %arg5[%swap3A_64, %swap3A_65, %swap3A_66], %swap3A_69 {strides = array<i32>} : memref<2x2x3xf32, #tpu.memory_space<vmem>>, vector<1x1x3xf32>,
    %get3A_70 = arith.constant 51 : index
    %get3A_71 = vector.load %arg0[%get3A_70] : memref<64xf32, #tpu.memory_space<vmem>>, vector<3xf32>
    %swap3A_72 = arith.constant 0 : index
    %swap3A_73 = arith.constant 1 : index
    %swap3A_74 = arith.constant 0 : index
    %swap3A_75 = vector.load %arg5[%swap3A_72, %swap3A_73, %swap3A_74] : memref<2x2x3xf32, #tpu.memory_space<vmem>>, vector<1x1x3xf32>
    %swap3A_76 = vector.shape_cast %swap3A_75 : vector<1x1x3xf32> to vector<3xf32>
    %swap3A_77 = vector.shape_cast %get3A_71 : vector<3xf32> to vector<1x1x3xf32>
    tpu.vector_store %arg5[%swap3A_72, %swap3A_73, %swap3A_74], %swap3A_77 {strides = array<i32>} : memref<2x2x3xf32, #tpu.memory_space<vmem>>, vector<1x1x3xf32>,
    %get3A_78 = arith.constant 54 : index
    %get3A_79 = vector.load %arg0[%get3A_78] : memref<64xf32, #tpu.memory_space<vmem>>, vector<3xf32>
    %swap3A_80 = arith.constant 1 : index
    %swap3A_81 = arith.constant 0 : index
    %swap3A_82 = arith.constant 0 : index
    %swap3A_83 = vector.load %arg5[%swap3A_80, %swap3A_81, %swap3A_82] : memref<2x2x3xf32, #tpu.memory_space<vmem>>, vector<1x1x3xf32>
    %swap3A_84 = vector.shape_cast %swap3A_83 : vector<1x1x3xf32> to vector<3xf32>
    %swap3A_85 = vector.shape_cast %get3A_79 : vector<3xf32> to vector<1x1x3xf32>
    tpu.vector_store %arg5[%swap3A_80, %swap3A_81, %swap3A_82], %swap3A_85 {strides = array<i32>} : memref<2x2x3xf32, #tpu.memory_space<vmem>>, vector<1x1x3xf32>,
    %get3A_86 = arith.constant 57 : index
    %get3A_87 = vector.load %arg0[%get3A_86] : memref<64xf32, #tpu.memory_space<vmem>>, vector<3xf32>
    %swap3A_88 = arith.constant 1 : index
    %swap3A_89 = arith.constant 1 : index
    %swap3A_90 = arith.constant 0 : index
    %swap3A_91 = vector.load %arg5[%swap3A_88, %swap3A_89, %swap3A_90] : memref<2x2x3xf32, #tpu.memory_space<vmem>>, vector<1x1x3xf32>
    %swap3A_92 = vector.shape_cast %swap3A_91 : vector<1x1x3xf32> to vector<3xf32>
    %swap3A_93 = vector.shape_cast %get3A_87 : vector<3xf32> to vector<1x1x3xf32>
    tpu.vector_store %arg5[%swap3A_88, %swap3A_89, %swap3A_90], %swap3A_93 {strides = array<i32>} : memref<2x2x3xf32, #tpu.memory_space<vmem>>, vector<1x1x3xf32>,
    return
  }
}

</mosaic_0001>

<sc_bundles>
// kernel: kernel.4.cloned.1.call-start
scs
__scs_entry_jumppad:
0x0: {  	(pc) =	sbr.rel $0x88, $3  }
0x1: {  	(tag) =	ssettag $0x0;
	lr =	simm.s32 $0x1  }
0x2: {  	[smem:$0x3F9E] =	sst lr;
	_ =	strace $0xD0000000  }
0x3: {  	_ = 	snop  }
0x4: {  	_ = 	snop  }
0x5: {  	_ = 	snop  }
0x6: {  	_ = 	snop  }
0x7: {  	_ = 	snop  }
__scs_overlays_trampoline_lowered:
0x8: {  	[smem:$0x3FAD] =	sst s0  }
0x9: {  	[smem:$0x3FAE] =	sst s1  }
0xa: {  	[smem:$0x3FAF] =	sst s2  }
0xb: {  	[smem:$0x3FB0] =	sst s3  }
0xc: {  	[smem:$0x3FB1] =	sst s4  }
0xd: {  	[smem:$0x3FB2] =	sst s5  }
0xe: {  	[smem:$0x3FB3] =	sst s6  }
0xf: {  	[smem:$0x3FB4] =	sst s7  }
0x10: {  	[smem:$0x3FB5] =	sst s8  }
0x11: {  	[smem:$0x3FB6] =	sst s9;
	s0 =	simm.s32 @!p0 $0x0  }
0x12: {  	s1 =	sld [smem:$0x3F9C];
	s0 =	simm.s32 @p0 $0x1  }
0x13: {  	[smem:$0x3FB7] =	sst s0;
	s0 =	simm.s32 @!p1 $0x0  }
0x14: {  	s2 =	sld [smem:$0x3F9B];
	s0 =	simm.s32 @p1 $0x1  }
0x15: {  	[smem:$0x3FB8] =	sst s0;
	s0 =	simm.s32 @!p2 $0x0  }
0x16: {  	s3 =	sld [smem:$0x3FDB];
	s0 =	simm.s32 @p2 $0x1  }
0x17: {  	s4 =	simm.s32 $0x1BF5;
	[smem:$0x3FBA] =	sst s0  }
0x18: {  	s0 =	sld [smem:$0x3F9D];
	_ =	swait.ge [sflag:s4], $0x0  }
0x19: {  	s7 =	sld [smem:$0x3F9E]  }
0x1a: {  	s8 =	sadd.s32 $0xFFFFE003, lr  }
0x1b: {  	s9 =	sadd.s32 $0xFFFFFEF7, lr;
	s5 =	simm.s32 $0xFFFFFFFF;
	p2 =	slt.u32 s8, $0xFFFFF086  }
0x1c: {  	p1 =	slt.u32 s9, $0xF7A;
	s5 =	simm.s32 @!p2 $0x0  }
0x1d: {  	s5 =	simm.s32 @p1 $0x1;
	p0 =	seq.s32 s7, s2  }
0x1e: {  	s7 =	smul.u32 @!p0 $0xF7A, s2;
	p2 =	seq.s32 @!p0 s5, $0x0  }
0x1f: {  	s9 =	smul.u32 $0xF7A, s1;
	s8 =	simm.s32 @!p0 $0x1BF5;
	p2 =	por !p2, p0  }
0x20: {  	[sflag:s8] =	ssyncset.s32 @!p0 $0xFFFFF086;
	s6 =	sadd.s32 @!p0 s3, s7;
	s7 =	simm.s32 @!p0 $0x108  }
0x21: {  	s3 =	sadd.s32 s3, s9;
	s6 =	sadd.s32 @!p0 $0x88, s6;
	s7 =	simm.s32 @p2 $0x1082  }
0x22: {  	[simem:s7], [sflag:s8] =	dma.local @!p0 [hbm:s6], $0xF7A  }
0x23: {  	s9 =	sor.u32 $0xD0000000, s2;
	s6 =	simm.s32 $0x108;
	_ =	swait.ge @!p0 [sflag:s8], $0x0  }
0x24: {  	s3 =	sadd.s32 $0x88, s3;
	s6 =	simm.s32 @!p1 $0x1082;
	[sflag:s4] =	ssyncset.s32 $0xFFFFF086  }
0x25: {  	[simem:s6], [sflag:s4] =	dma.local [hbm:s3], $0xF7A  }
0x26: {  	[smem:$0x3F9E] =	sst s1;
	(tag) =	ssettag s2;
	_ =	strace s9  }
0x27: {  	s1 =	sld [smem:$0x3FAE]  }
0x28: {  	s2 =	sld [smem:$0x3FAF]  }
0x29: {  	s4 =	sld [smem:$0x3FB1]  }
0x2a: {  	p0 =	seq.s32 s5, $0x0;
	s5 =	sld [smem:$0x3FB2]  }
0x2b: {  	s6 =	sld [smem:$0x3FB3]  }
0x2c: {  	s7 =	sld [smem:$0x3FB4]  }
0x2d: {  	s3 =	simm.s32 $0x108;
	s8 =	sld [smem:$0x3FB5]  }
0x2e: {  	s3 =	simm.s32 @!p0 $0x1082;
	s9 =	sld [smem:$0x3FB6]  }
0x2f: {  	lr =	sadd.s32 s0, s3;
	s0 =	sld [smem:$0x3FAD]  }
0x30: {  	s3 =	sld [smem:$0x3FB0]  }
0x31: {  	[smem:$0x3FB9] =	sst s10  }
0x32: {  	s10 =	sld [smem:$0x3FB7];
	_ =	sdelay $0x3  }
0x33: {  	p0 =	seq.s32 s10, $0x1;
	s10 =	sld [smem:$0x3FB9];
	_ =	sdelay $0x3  }
0x34: {  	[smem:$0x3FB9] =	sst s10  }
0x35: {  	s10 =	sld [smem:$0x3FB8];
	_ =	sdelay $0x3  }
0x36: {  	p1 =	seq.s32 s10, $0x1;
	s10 =	sld [smem:$0x3FB9];
	_ =	sdelay $0x3  }
0x37: {  	[smem:$0x3FB9] =	sst s10  }
0x38: {  	s10 =	sld [smem:$0x3FBA]  }
0x39: {  	_ = 	snop;
	(pc) =	sbr.ind lr, $3  }
0x3a: {  	_ = 	snop  }
0x3b: {  	_ = 	snop  }
0x3c: {  	p2 =	seq.s32 s10, $0x1;
	s10 =	sld [smem:$0x3FB9]  }
0x3d: {  	_ =	shalt  }
0x3e: {  	_ =	shalt  }
0x3f: {  	_ =	shalt  }
0x40: {  	_ =	shalt  }
0x41: {  	_ =	shalt  }
0x42: {  	_ =	shalt  }
0x43: {  	_ =	shalt  }
0x44: {  	_ =	shalt  }
0x45: {  	_ =	shalt  }
0x46: {  	_ =	shalt  }
0x47: {  	_ =	shalt  }
0x48: {  	_ =	shalt  }
0x49: {  	_ =	shalt  }
0x4a: {  	_ =	shalt  }
0x4b: {  	_ =	shalt  }
0x4c: {  	_ =	shalt  }
0x4d: {  	_ =	shalt  }
0x4e: {  	_ =	shalt  }
0x4f: {  	_ =	shalt  }
0x50: {  	_ =	shalt  }
0x51: {  	_ =	shalt  }
0x52: {  	_ =	shalt  }
0x53: {  	_ =	shalt  }
0x54: {  	_ =	shalt  }
0x55: {  	_ =	shalt  }
0x56: {  	_ =	shalt  }
0x57: {  	_ =	shalt  }
0x58: {  	_ =	shalt  }
0x59: {  	_ =	shalt  }
0x5a: {  	_ =	shalt  }
0x5b: {  	_ =	shalt  }
0x5c: {  	_ =	shalt  }
0x5d: {  	_ =	shalt  }
0x5e: {  	_ =	shalt  }
0x5f: {  	_ =	shalt  }
0x60: {  	_ =	shalt  }
0x61: {  	_ =	shalt  }
0x62: {  	_ =	shalt  }
0x63: {  	_ =	shalt  }
0x64: {  	_ =	shalt  }
0x65: {  	_ =	shalt  }
0x66: {  	_ =	shalt  }
0x67: {  	_ =	shalt  }
0x68: {  	_ =	shalt  }
0x69: {  	_ =	shalt  }
0x6a: {  	_ =	shalt  }
0x6b: {  	_ =	shalt  }
0x6c: {  	_ =	shalt  }
0x6d: {  	_ =	shalt  }
0x6e: {  	_ =	shalt  }
0x6f: {  	_ =	shalt  }
0x70: {  	_ =	shalt  }
0x71: {  	_ =	shalt  }
0x72: {  	_ =	shalt  }
0x73: {  	_ =	shalt  }
0x74: {  	_ =	shalt  }
0x75: {  	_ =	shalt  }
0x76: {  	_ =	shalt  }
0x77: {  	_ =	shalt  }
0x78: {  	_ =	shalt  }
0x79: {  	_ =	shalt  }
0x7a: {  	_ =	shalt  }
0x7b: {  	_ =	shalt  }
0x7c: {  	_ =	shalt  }
0x7d: {  	_ =	shalt  }
0x7e: {  	_ =	shalt  }
0x7f: {  	_ =	shalt  }
0x80: {  	_ =	shalt  }
0x81: {  	_ =	shalt  }
0x82: {  	_ =	shalt  }
0x83: {  	_ =	shalt  }
0x84: {  	_ =	shalt  }
0x85: {  	_ =	shalt  }
0x86: {  	_ =	shalt  }
0x87: {  	_ =	shalt  }
.Lfunc_end0:
.L_simem_size_0:
called_computation_lowered:
.L_overlay_start_0:
0x88: {  	s0 =	sld [smem:$0x3FD9]  }
0x89: {  	s1 =	sld [smem:$0x3FFE];
	_ =	sdelay $0x3  }
0x8a: {  	s0 =	sadd.s32 s1, s0  }
0x8b: {  	[smem:$0x3FC5] =	sst s0  }
0x8c: {  	_ = 	snop  }
0x8d: {  	s0 =	sld [smem:$0x3FD0];
	_ =	sdelay $0x2  }
0x8e: {  	s18 =	simm.s32 $0xA;
	s2 =	simm.s32 $0x190  }
0x8f: {  	[smem:s2], [sflag:s18] =	dma.local [hbm:s0], $0x1  }
0x90: {  	_ =	swait.eq [sflag:s18], $0x1  }
0x91: {  	[sflag:s18] =	ssyncset.done $0x0  }
0x92: {  	s19 =	sld [smem:$0x190];
	[sflag:s18] =	ssyncadd.s32 $0xFFFFFFFF  }
0x93: {  	s20 =	sld [smem:$0x192];
	(tm) =	ssettm $0x1  }
0x94: {  	s21 =	sld [smem:$0x3FFB];
	_ =	sdelay $0x3  }
0x95: {  	_ =	strace s21  }
0x96: {  	s1 =	sld [smem:$0x3FFC];
	_ =	sdelay $0x3  }
0x97: {  	_ =	strace s1  }
0x98: {  	s1 =	sld [smem:$0x3FFD];
	_ =	sdelay $0x3  }
0x99: {  	_ =	strace s1  }
0x9a: {  	s22 =	simm.s32 $0x1B8B;
	_ =	strace $0x8FFFFFFF  }
0x9b: {  	_ =	swait.ge [sflag:s22], $0x1  }
0x9c: {  	[sflag:s22] =	ssyncset.done $0x0  }
0x9d: {  	s23 =	simm.s32 $0x1B8E;
	[sflag:s22] =	ssyncadd.s32 $0xFFFFFFFF  }
0x9e: {  	[smem:$0x3FD2] =	sst s23  }
0x9f: {  	s24 =	simm.s32 $0x9;
	s3 =	simm.s32 $0x10;
	_ =	strace $0x80000046  }
0xa0: {  	[smem:s3], [sflag:s24] =	dma.local [hbm:s20], $0x20  }
0xa1: {  	_ =	swait.ge [sflag:s24], $0x20  }
0xa2: {  	[sflag:s24] =	ssyncset.done $0x0  }
0xa3: {  	[sflag:s24] =	ssyncadd.s32 $0xFFFFFFE0  }
0xa4: {  	s25 =	sld [smem:$0x12];
	_ =	sdelay $0x3  }
0xa5: {  	[smem:$0x110] =	sst s25  }
0xa6: {  	s2 =	sld [smem:$0x10];
	_ =	sdelay $0x3  }
0xa7: {  	[smem:$0x111] =	sst s2  }
0xa8: {  	s2 =	sld [smem:$0x11];
	_ =	sdelay $0x3  }
0xa9: {  	[smem:$0x112] =	sst s2  }
0xaa: {  	s2 =	sld [smem:$0x20];
	_ =	sdelay $0x3  }
0xab: {  	[smem:$0x120] =	sst s2  }
0xac: {  	s2 =	sld [smem:$0x21];
	_ =	sdelay $0x3  }
0xad: {  	[smem:$0x121] =	sst s2  }
0xae: {  	s2 =	sld [smem:$0x20];
	_ =	sdelay $0x3  }
0xaf: {  	[smem:$0x122] =	sst s2  }
0xb0: {  	s2 =	sld [smem:$0x31];
	_ =	sdelay $0x3  }
0xb1: {  	[smem:$0x123] =	sst s2  }
0xb2: {  	s2 =	sld [smem:$0x30];
	_ =	sdelay $0x3  }
0xb3: {  	[smem:$0x124] =	sst s2  }
0xb4: {  	[smem:$0x125] =	sst s2  }
0xb5: {  	s2 =	sld [smem:$0x30];
	_ =	sdelay $0x3  }
0xb6: {  	[smem:$0x126] =	sst s2  }
0xb7: {  	s2 =	sld [smem:$0x20];
	_ =	sdelay $0x3  }
0xb8: {  	[smem:$0x127] =	sst s2  }
0xb9: {  	s2 =	sld [smem:$0x40];
	_ =	sdelay $0x3  }
0xba: {  	[smem:$0x128] =	sst s2  }
0xbb: {  	s2 =	sld [smem:$0x21];
	_ =	sdelay $0x3  }
0xbc: {  	[smem:$0x129] =	sst s2  }
0xbd: {  	s2 =	sld [smem:$0x41];
	_ =	sdelay $0x3  }
0xbe: {  	[smem:$0x12A] =	sst s2  }
0xbf: {  	s2 =	sld [smem:$0x31];
	_ =	sdelay $0x3  }
0xc0: {  	[smem:$0x12B] =	sst s2  }
0xc1: {  	s2 =	sld [smem:$0x50];
	_ =	sdelay $0x3  }
0xc2: {  	[smem:$0x130] =	sst s2  }
0xc3: {  	s2 =	sld [smem:$0x51];
	_ =	sdelay $0x3  }
0xc4: {  	[smem:$0x131] =	sst s2  }
0xc5: {  	s2 =	sld [smem:$0x52];
	_ =	sdelay $0x3  }
0xc6: {  	[smem:$0x132] =	sst s2  }
0xc7: {  	s2 =	sld [smem:$0x53];
	_ =	sdelay $0x3  }
0xc8: {  	[smem:$0x133] =	sst s2  }
0xc9: {  	s2 =	sld [smem:$0x50];
	_ =	sdelay $0x3  }
0xca: {  	[smem:$0x134] =	sst s2  }
0xcb: {  	s2 =	sld [smem:$0x51];
	_ =	sdelay $0x3  }
0xcc: {  	[smem:$0x135] =	sst s2  }
0xcd: {  	s2 =	sld [smem:$0x52];
	_ =	sdelay $0x3  }
0xce: {  	[smem:$0x136] =	sst s2  }
0xcf: {  	s2 =	sld [smem:$0x53];
	_ =	sdelay $0x3  }
0xd0: {  	[smem:$0x137] =	sst s2  }
0xd1: {  	s2 =	sld [smem:$0x80];
	_ =	sdelay $0x3  }
0xd2: {  	[smem:$0x138] =	sst s2  }
0xd3: {  	s2 =	sld [smem:$0x81];
	_ =	sdelay $0x3  }
0xd4: {  	[smem:$0x139] =	sst s2  }
0xd5: {  	s2 =	sld [smem:$0x82];
	_ =	sdelay $0x3  }
0xd6: {  	[smem:$0x13A] =	sst s2  }
0xd7: {  	s2 =	sld [smem:$0x83];
	_ =	sdelay $0x3  }
0xd8: {  	[smem:$0x13B] =	sst s2  }
0xd9: {  	s2 =	sld [smem:$0x80];
	_ =	sdelay $0x3  }
0xda: {  	[smem:$0x13C] =	sst s2  }
0xdb: {  	s2 =	sld [smem:$0x81];
	_ =	sdelay $0x3  }
0xdc: {  	[smem:$0x13D] =	sst s2  }
0xdd: {  	s2 =	sld [smem:$0x82];
	_ =	sdelay $0x3  }
0xde: {  	[smem:$0x13E] =	sst s2  }
0xdf: {  	s2 =	sld [smem:$0x83];
	_ =	sdelay $0x3  }
0xe0: {  	[smem:$0x13F] =	sst s2  }
0xe1: {  	s2 =	sld [smem:$0x50];
	_ =	sdelay $0x3  }
0xe2: {  	[smem:$0x140] =	sst s2  }
0xe3: {  	s2 =	sld [smem:$0x60];
	_ =	sdelay $0x3  }
0xe4: {  	[smem:$0x141] =	sst s2  }
0xe5: {  	s2 =	sld [smem:$0x70];
	_ =	sdelay $0x3  }
0xe6: {  	[smem:$0x142] =	sst s2  }
0xe7: {  	s2 =	sld [smem:$0x50];
	_ =	sdelay $0x3  }
0xe8: {  	[smem:$0x143] =	sst s2  }
0xe9: {  	s2 =	sld [smem:$0x60];
	_ =	sdelay $0x3  }
0xea: {  	[smem:$0x144] =	sst s2  }
0xeb: {  	s2 =	sld [smem:$0x70];
	_ =	sdelay $0x3  }
0xec: {  	[smem:$0x145] =	sst s2  }
0xed: {  	s2 =	sld [smem:$0x80];
	_ =	sdelay $0x3  }
0xee: {  	[smem:$0x146] =	sst s2  }
0xef: {  	s2 =	sld [smem:$0x90];
	_ =	sdelay $0x3  }
0xf0: {  	[smem:$0x147] =	sst s2  }
0xf1: {  	s2 =	sld [smem:$0xA0];
	_ =	sdelay $0x3  }
0xf2: {  	[smem:$0x148] =	sst s2  }
0xf3: {  	s2 =	sld [smem:$0x80];
	_ =	sdelay $0x3  }
0xf4: {  	[smem:$0x149] =	sst s2  }
0xf5: {  	s2 =	sld [smem:$0x90];
	_ =	sdelay $0x3  }
0xf6: {  	[smem:$0x14A] =	sst s2  }
0xf7: {  	s2 =	sld [smem:$0xA0];
	_ =	sdelay $0x3  }
0xf8: {  	s26 =	simm.s32 $0x110;
	[smem:$0x14B] =	sst s2  }
0xf9: {  	[hbm:s19], [sflag:s24] =	dma.local [smem:s26], $0x10  }
0xfa: {  	_ =	swait.ge [sflag:s24], $0x10  }
0xfb: {  	[sflag:s24] =	ssyncset.done $0x0  }
0xfc: {  	[sflag:s24] =	ssyncadd.s32 $0xFFFFFFF0  }
0xfd: {  	_ =	strace $0x90000046  }
0xfe: {  	_ =	sfence  }
0xff: {  	s28 =	sld [smem:$0x0];
	_ =	sdelay $0x1  }
0x100: {  	s29 =	srdreg.scid  }
0x101: {  	s30 =	sshll.u32 s29, $0xD;
	s31 =	sshrl.u32 s29, $0x2  }
0x102: {  	s1 =	sand.u32 $0x1, s29;
	s2 =	sand.u32 $0x4000, s30;
	s0 =	sadd.s32 s31, s28  }
0x103: {  	s1 =	sor.u32 s2, s1;
	s0 =	sshll.u32 s0, $0x11  }
0x104: {  	s0 =	sor.u32 s0, s1  }
0x105: {  	s0 =	sadd.s32 $0x8F2B, s0;
	(pc) =	sbr.abs _section_cstart, $3  }
0x106: {  	[sflag:s0] =	ssyncadd.remote.s32 $0x1  }
0x107: {  	_ =	strace $0x9FFFFFFF  }
0x108: {  	(tm) =	ssettm $0x7FFFFFFF  }
0x109: {  	_ =	shalt  }

</sc_bundles>
